<compile_context>
chip_gen: v7x
topology: tpu7x:2x2x1
jax: 0.10.2.dev20260603
libtpu: 0.0.44.dev20260713+nightly
codegen_flags: <defaults>
</compile_context>

<pallas_src>
import functools

import jax
import jax.numpy as jnp
from jax import lax
from jax.experimental import pallas as pl
from jax.experimental.pallas import tpu as pltpu
from jax.experimental.pallas import tpu_sc as plsc

DIM_Z = 64
N_INT = 65
WPR = 2
NC, NS = 1, 16
NW = NC * NS
LANES = 16


def _make_sc_lookup(batch: int):
    bpw = batch // NW
    wpw = bpw * WPR
    mesh = plsc.VectorSubcoreMesh(
        core_axis_name="c", subcore_axis_name="s", num_cores=NC,
        num_subcores=NS)

    @functools.partial(
        pl.kernel,
        mesh=mesh,
        out_type=jax.ShapeDtypeStruct((batch * WPR,), jnp.int32),
        scratch_types=[
            pltpu.VMEM((bpw,), jnp.int32),
            pltpu.VMEM((N_INT,), jnp.int32),
            pltpu.VMEM((N_INT * WPR,), jnp.int32),
            pltpu.VMEM((wpw,), jnp.int32),
            pltpu.SemaphoreType.DMA,
        ],
        compiler_params=pltpu.CompilerParams(
            needs_layout_passes=False, use_tc_tiling_on_sc=False),
    )
    def sc_lookup(labels_hbm, perm_hbm, masks_hbm, out_hbm,
                  labels_v, perm_v, table_v, rows_v, sem):
        wid = lax.axis_index("s") * NC + lax.axis_index("c")
        base = wid * bpw
        ins = [pltpu.async_copy(labels_hbm.at[pl.ds(base, bpw)], labels_v, sem),
               pltpu.async_copy(perm_hbm, perm_v, sem),
               pltpu.async_copy(masks_hbm, table_v, sem)]
        for c in ins:
            c.wait()
        lanes = lax.iota(jnp.int32, LANES)

        @plsc.parallel_loop(0, bpw // LANES, 1, unroll=8)
        def _groups(i):
            lbl = labels_v[pl.ds(i * LANES, LANES)]
            idx = plsc.load_gather(perm_v, [lbl])
            idx2 = idx * WPR
            pos = lanes + i * LANES
            for w in range(WPR):
                vals = plsc.load_gather(table_v, [idx2 + w])
                plsc.store_scatter(rows_v, [pos + w * bpw], vals)

        outs = [pltpu.async_copy(rows_v.at[pl.ds(0, bpw)],
                                 out_hbm.at[pl.ds(base, bpw)], sem),
                pltpu.async_copy(rows_v.at[pl.ds(bpw, bpw)],
                                 out_hbm.at[pl.ds(batch + base, bpw)], sem)]
        for c in outs:
            c.wait()

    return sc_lookup


def kernel(intervention_label, permutation, masks):
    batch = intervention_label.shape[0]
    bits = masks.reshape(N_INT * WPR, 32).astype(jnp.int32)
    table = (bits << jnp.arange(32, dtype=jnp.int32)).sum(
        axis=1, dtype=jnp.int32)
    words = _make_sc_lookup(batch)(intervention_label, permutation, table)
    lo, hi = words[:batch, None], words[batch:, None]
    cols = jnp.arange(DIM_Z, dtype=jnp.int32)[None, :]
    sel = jnp.where(cols < 32, lo, hi)
    return ((sel >> (cols & 31)) & 1).astype(jnp.bool_)

# --- scband reference (transcript-rebuilt; emitter-appended) ---
"""Pipeline reference for scband-intervention-prior-40321152975499 (READ-ONLY COPY).

The authoritative reference and input builder live on the scoring server;
editing this copy changes nothing except your own understanding.
"""

import jax, jax.numpy as jnp
import numpy as np

DIM_Z = 64
N_INTERVENTIONS = DIM_Z + 1  # atomic_or_none
BATCH = 16384


def _build_masks():
    # atomic_or_none: first row all False (no intervention), then identity rows (atomic)
    none_row = jnp.zeros((1, DIM_Z), dtype=bool)
    atomic_rows = jnp.eye(DIM_Z, dtype=bool)
    return jnp.concatenate([none_row, atomic_rows], axis=0)  # [N_INTERVENTIONS, DIM_Z]


def setup_inputs(seed: int = 0) -> dict:
    key = jax.random.key(seed)
    intervention_label = jax.random.randint(key, (BATCH,), 0, N_INTERVENTIONS).astype(jnp.int32)
    masks = _build_masks()
    # permutation index 0 in itertools.permutations(range(n)) is the identity permutation
    permutation = jnp.arange(N_INTERVENTIONS, dtype=jnp.int32)
    return {"intervention_label": intervention_label, "permutation": permutation, "masks": masks}


def reference(intervention_label, permutation, masks):
    # torch.index_select(self._permutation, 0, intervention_label)
    intervention_idx = jnp.take(permutation, intervention_label, axis=0)
    # torch.index_select(self._masks, 0, intervention_idx)
    intervention = jnp.take(masks, intervention_idx, axis=0)
    return intervention

if __name__ == "__main__":
    import jax
    _d = setup_inputs()
    print(jax.jit(kernel)(*tuple(_d.values())))

</pallas_src>

<mosaic_0001>
#map = affine_map<(d0, d1) -> (0)>
module attributes {stable_mosaic.version = 14 : i64} {
  func.func @sc_lookup(%arg0: i32, %arg1: i32, %arg2: memref<16384xi32, #tpu.memory_space<hbm>>, %arg3: memref<65xi32, #tpu.memory_space<hbm>>, %arg4: memref<130xi32, #tpu.memory_space<hbm>>, %arg5: memref<32768xi32, #tpu.memory_space<hbm>>, %arg6: memref<1024xi32, #tpu.memory_space<vmem>>, %arg7: memref<65xi32, #tpu.memory_space<vmem>>, %arg8: memref<130xi32, #tpu.memory_space<vmem>>, %arg9: memref<2048xi32, #tpu.memory_space<vmem>>, %arg10: memref<!tpu.dma_semaphore, #tpu.memory_space<semaphore_mem>>) attributes {dimension_semantics = [#tpu.dimension_semantics<core_parallel>, #tpu.dimension_semantics<subcore_parallel>], iteration_bounds = array<i64: 1, 16>, scalar_prefetch = 0 : i64, scratch_operands = 5 : i64, tpu.core_type = #tpu.core_type<sc_vector_subcore>, window_params = [{transform_indices = #map}, {transform_indices = #map}, {transform_indices = #map}, {transform_indices = #map}]} {
    %mul3A = arith.constant 1 : i32
    %mul3A_0 = arith.muli %arg1, %mul3A : i32
    %add3A = arith.addi %mul3A_0, %arg0 : i32
    %mul3A_1 = arith.constant 1024 : i32
    %mul3A_2 = arith.muli %add3A, %mul3A_1 : i32
    %dma_start3A = tpu.memref_slice %arg2[%mul3A_2] : memref<16384xi32, #tpu.memory_space<hbm>> -> memref<1024xi32, #tpu.memory_space<hbm>>
    %dma_start3A_3 = tpu.memref_slice %arg2[%mul3A_2] : memref<16384xi32, #tpu.memory_space<hbm>> -> memref<1024xi32, #tpu.memory_space<hbm>>
    tpu.enqueue_dma source(%dma_start3A_3 : memref<1024xi32, #tpu.memory_space<hbm>>) target(%arg6 : memref<1024xi32, #tpu.memory_space<vmem>>) target_semaphore(%arg10 : memref<!tpu.dma_semaphore, #tpu.memory_space<semaphore_mem>>)
    tpu.enqueue_dma source(%arg3 : memref<65xi32, #tpu.memory_space<hbm>>) target(%arg7 : memref<65xi32, #tpu.memory_space<vmem>>) target_semaphore(%arg10 : memref<!tpu.dma_semaphore, #tpu.memory_space<semaphore_mem>>)
    tpu.enqueue_dma source(%arg4 : memref<130xi32, #tpu.memory_space<hbm>>) target(%arg8 : memref<130xi32, #tpu.memory_space<vmem>>) target_semaphore(%arg10 : memref<!tpu.dma_semaphore, #tpu.memory_space<semaphore_mem>>)
    %dma_wait3A = tpu.memref_slice %arg2[%mul3A_2] : memref<16384xi32, #tpu.memory_space<hbm>> -> memref<1024xi32, #tpu.memory_space<hbm>>
    %dma_wait3A_4 = tpu.memref_slice %arg2[%mul3A_2] : memref<16384xi32, #tpu.memory_space<hbm>> -> memref<1024xi32, #tpu.memory_space<hbm>>
    tpu.wait_dma2 semaphore(%arg10 : memref<!tpu.dma_semaphore, #tpu.memory_space<semaphore_mem>>) src(%dma_wait3A_4 : memref<1024xi32, #tpu.memory_space<hbm>>) dst(%arg6 : memref<1024xi32, #tpu.memory_space<vmem>>)
    tpu.wait_dma2 semaphore(%arg10 : memref<!tpu.dma_semaphore, #tpu.memory_space<semaphore_mem>>) src(%arg3 : memref<65xi32, #tpu.memory_space<hbm>>) dst(%arg7 : memref<65xi32, #tpu.memory_space<vmem>>)
    tpu.wait_dma2 semaphore(%arg10 : memref<!tpu.dma_semaphore, #tpu.memory_space<semaphore_mem>>) src(%arg4 : memref<130xi32, #tpu.memory_space<hbm>>) dst(%arg8 : memref<130xi32, #tpu.memory_space<vmem>>)
    %iota3A = tpu.iota {dimensions = array<i32: 0>} : vector<16xi32>
    %parallel_loop3A = arith.constant 0 : i32
    %parallel_loop3A_5 = arith.constant 64 : i32
    %parallel_loop3A_6 = arith.constant 1 : i32
    scf.for %parallel_loop3A_33 = %parallel_loop3A to %parallel_loop3A_5 step %parallel_loop3A_6  : i32 {
      %parallel_loop3A_34 = arith.constant 16 : i32
      %parallel_loop3A_35 = arith.muli %parallel_loop3A_33, %parallel_loop3A_34 : i32
      %parallel_loop3A_36 = arith.index_cast %parallel_loop3A_35 : i32 to index
      %parallel_loop3A_37 = tpu.vector_load %arg6[%parallel_loop3A_36] {strides = array<i32>} : memref<1024xi32, #tpu.memory_space<vmem>>, vector<16xi32>,
      %parallel_loop3A_38 = tpu.vector_load_idx %arg7[%parallel_loop3A_37] : memref<65xi32, #tpu.memory_space<vmem>>[vector<16xi32>], vector<16xi32>,
      %parallel_loop3A_39 = arith.constant 2 : i32
      %parallel_loop3A_40 = vector.broadcast %parallel_loop3A_39 : i32 to vector<16xi32>
      %parallel_loop3A_41 = arith.muli %parallel_loop3A_38, %parallel_loop3A_40 : vector<16xi32>
      %parallel_loop3A_42 = arith.constant 16 : i32
      %parallel_loop3A_43 = arith.muli %parallel_loop3A_33, %parallel_loop3A_42 : i32
      %parallel_loop3A_44 = vector.broadcast %parallel_loop3A_43 : i32 to vector<16xi32>
      %parallel_loop3A_45 = arith.addi %iota3A, %parallel_loop3A_44 : vector<16xi32>
      %parallel_loop3A_46 = arith.constant 0 : i32
      %parallel_loop3A_47 = vector.broadcast %parallel_loop3A_46 : i32 to vector<16xi32>
      %parallel_loop3A_48 = arith.addi %parallel_loop3A_41, %parallel_loop3A_47 : vector<16xi32>
      %parallel_loop3A_49 = tpu.vector_load_idx %arg8[%parallel_loop3A_48] : memref<130xi32, #tpu.memory_space<vmem>>[vector<16xi32>], vector<16xi32>,
      %parallel_loop3A_50 = arith.constant 0 : i32
      %parallel_loop3A_51 = vector.broadcast %parallel_loop3A_50 : i32 to vector<16xi32>
      %parallel_loop3A_52 = arith.addi %parallel_loop3A_45, %parallel_loop3A_51 : vector<16xi32>
      tpu.vector_store_idx %arg9[%parallel_loop3A_52], %parallel_loop3A_49 : memref<2048xi32, #tpu.memory_space<vmem>>[vector<16xi32>], vector<16xi32>,
      %parallel_loop3A_53 = arith.constant 1 : i32
      %parallel_loop3A_54 = vector.broadcast %parallel_loop3A_53 : i32 to vector<16xi32>
      %parallel_loop3A_55 = arith.addi %parallel_loop3A_41, %parallel_loop3A_54 : vector<16xi32>
      %parallel_loop3A_56 = tpu.vector_load_idx %arg8[%parallel_loop3A_55] : memref<130xi32, #tpu.memory_space<vmem>>[vector<16xi32>], vector<16xi32>,
      %parallel_loop3A_57 = arith.constant 1024 : i32
      %parallel_loop3A_58 = vector.broadcast %parallel_loop3A_57 : i32 to vector<16xi32>
      %parallel_loop3A_59 = arith.addi %parallel_loop3A_45, %parallel_loop3A_58 : vector<16xi32>
      tpu.vector_store_idx %arg9[%parallel_loop3A_59], %parallel_loop3A_56 : memref<2048xi32, #tpu.memory_space<vmem>>[vector<16xi32>], vector<16xi32>,
    } {sc.loop_unroll_factor = 8 : i64, sc.parallel_access}
    %dma_start3A_7 = arith.constant 0 : i32
    %dma_start3A_8 = tpu.memref_slice %arg9[%dma_start3A_7] : memref<2048xi32, #tpu.memory_space<vmem>> -> memref<1024xi32, #tpu.memory_space<vmem>>
    %dma_start3A_9 = tpu.memref_slice %arg5[%mul3A_2] : memref<32768xi32, #tpu.memory_space<hbm>> -> memref<1024xi32, #tpu.memory_space<hbm>>
    %dma_start3A_10 = tpu.memref_slice %arg5[%mul3A_2] : memref<32768xi32, #tpu.memory_space<hbm>> -> memref<1024xi32, #tpu.memory_space<hbm>>
    %dma_start3A_11 = arith.constant 0 : i32
    %dma_start3A_12 = tpu.memref_slice %arg9[%dma_start3A_11] : memref<2048xi32, #tpu.memory_space<vmem>> -> memref<1024xi32, #tpu.memory_space<vmem>>
    tpu.enqueue_dma source(%dma_start3A_12 : memref<1024xi32, #tpu.memory_space<vmem>>) target(%dma_start3A_10 : memref<1024xi32, #tpu.memory_space<hbm>>) target_semaphore(%arg10 : memref<!tpu.dma_semaphore, #tpu.memory_space<semaphore_mem>>)
    %add3A_13 = arith.constant 16384 : i32
    %add3A_14 = arith.addi %add3A_13, %mul3A_2 : i32
    %dma_start3A_15 = arith.constant 1024 : i32
    %dma_start3A_16 = tpu.memref_slice %arg9[%dma_start3A_15] : memref<2048xi32, #tpu.memory_space<vmem>> -> memref<1024xi32, #tpu.memory_space<vmem>>
    %dma_start3A_17 = tpu.memref_slice %arg5[%add3A_14] : memref<32768xi32, #tpu.memory_space<hbm>> -> memref<1024xi32, #tpu.memory_space<hbm>>
    %dma_start3A_18 = tpu.memref_slice %arg5[%add3A_14] : memref<32768xi32, #tpu.memory_space<hbm>> -> memref<1024xi32, #tpu.memory_space<hbm>>
    %dma_start3A_19 = arith.constant 1024 : i32
    %dma_start3A_20 = tpu.memref_slice %arg9[%dma_start3A_19] : memref<2048xi32, #tpu.memory_space<vmem>> -> memref<1024xi32, #tpu.memory_space<vmem>>
    tpu.enqueue_dma source(%dma_start3A_20 : memref<1024xi32, #tpu.memory_space<vmem>>) target(%dma_start3A_18 : memref<1024xi32, #tpu.memory_space<hbm>>) target_semaphore(%arg10 : memref<!tpu.dma_semaphore, #tpu.memory_space<semaphore_mem>>)
    %dma_wait3A_21 = arith.constant 0 : i32
    %dma_wait3A_22 = tpu.memref_slice %arg9[%dma_wait3A_21] : memref<2048xi32, #tpu.memory_space<vmem>> -> memref<1024xi32, #tpu.memory_space<vmem>>
    %dma_wait3A_23 = tpu.memref_slice %arg5[%mul3A_2] : memref<32768xi32, #tpu.memory_space<hbm>> -> memref<1024xi32, #tpu.memory_space<hbm>>
    %dma_wait3A_24 = tpu.memref_slice %arg5[%mul3A_2] : memref<32768xi32, #tpu.memory_space<hbm>> -> memref<1024xi32, #tpu.memory_space<hbm>>
    %dma_wait3A_25 = arith.constant 0 : i32
    %dma_wait3A_26 = tpu.memref_slice %arg9[%dma_wait3A_25] : memref<2048xi32, #tpu.memory_space<vmem>> -> memref<1024xi32, #tpu.memory_space<vmem>>
    tpu.wait_dma2 semaphore(%arg10 : memref<!tpu.dma_semaphore, #tpu.memory_space<semaphore_mem>>) src(%dma_wait3A_26 : memref<1024xi32, #tpu.memory_space<vmem>>) dst(%dma_wait3A_24 : memref<1024xi32, #tpu.memory_space<hbm>>)
    %dma_wait3A_27 = arith.constant 1024 : i32
    %dma_wait3A_28 = tpu.memref_slice %arg9[%dma_wait3A_27] : memref<2048xi32, #tpu.memory_space<vmem>> -> memref<1024xi32, #tpu.memory_space<vmem>>
    %dma_wait3A_29 = tpu.memref_slice %arg5[%add3A_14] : memref<32768xi32, #tpu.memory_space<hbm>> -> memref<1024xi32, #tpu.memory_space<hbm>>
    %dma_wait3A_30 = tpu.memref_slice %arg5[%add3A_14] : memref<32768xi32, #tpu.memory_space<hbm>> -> memref<1024xi32, #tpu.memory_space<hbm>>
    %dma_wait3A_31 = arith.constant 1024 : i32
    %dma_wait3A_32 = tpu.memref_slice %arg9[%dma_wait3A_31] : memref<2048xi32, #tpu.memory_space<vmem>> -> memref<1024xi32, #tpu.memory_space<vmem>>
    tpu.wait_dma2 semaphore(%arg10 : memref<!tpu.dma_semaphore, #tpu.memory_space<semaphore_mem>>) src(%dma_wait3A_32 : memref<1024xi32, #tpu.memory_space<vmem>>) dst(%dma_wait3A_30 : memref<1024xi32, #tpu.memory_space<hbm>>)
    return
  }
}

</mosaic_0001>

<sc_bundles>
// kernel: kernel.3.cloned.1.call-start
scs
__scs_entry_jumppad:
0x0: {  	(pc) =	sbr.rel $0x88, $3  }
0x1: {  	(tag) =	ssettag $0x0;
	lr =	simm.s32 $0x1  }
0x2: {  	[smem:$0x3F9E] =	sst lr;
	_ =	strace $0xD0000000  }
0x3: {  	_ = 	snop  }
0x4: {  	_ = 	snop  }
0x5: {  	_ = 	snop  }
0x6: {  	_ = 	snop  }
0x7: {  	_ = 	snop  }
__scs_overlays_trampoline_lowered:
0x8: {  	[smem:$0x3FAD] =	sst s0  }
0x9: {  	[smem:$0x3FAE] =	sst s1  }
0xa: {  	[smem:$0x3FAF] =	sst s2  }
0xb: {  	[smem:$0x3FB0] =	sst s3  }
0xc: {  	[smem:$0x3FB1] =	sst s4  }
0xd: {  	[smem:$0x3FB2] =	sst s5  }
0xe: {  	[smem:$0x3FB3] =	sst s6  }
0xf: {  	[smem:$0x3FB4] =	sst s7  }
0x10: {  	[smem:$0x3FB5] =	sst s8  }
0x11: {  	[smem:$0x3FB6] =	sst s9;
	s0 =	simm.s32 @!p0 $0x0  }
0x12: {  	s1 =	sld [smem:$0x3F9C];
	s0 =	simm.s32 @p0 $0x1  }
0x13: {  	[smem:$0x3FB7] =	sst s0;
	s0 =	simm.s32 @!p1 $0x0  }
0x14: {  	s2 =	sld [smem:$0x3F9B];
	s0 =	simm.s32 @p1 $0x1  }
0x15: {  	[smem:$0x3FB8] =	sst s0;
	s0 =	simm.s32 @!p2 $0x0  }
0x16: {  	s3 =	sld [smem:$0x3FDB];
	s0 =	simm.s32 @p2 $0x1  }
0x17: {  	s4 =	simm.s32 $0x1BF5;
	[smem:$0x3FBA] =	sst s0  }
0x18: {  	s0 =	sld [smem:$0x3F9D];
	_ =	swait.ge [sflag:s4], $0x0  }
0x19: {  	s7 =	sld [smem:$0x3F9E]  }
0x1a: {  	s8 =	sadd.s32 $0xFFFFE003, lr  }
0x1b: {  	s9 =	sadd.s32 $0xFFFFFEF7, lr;
	s5 =	simm.s32 $0xFFFFFFFF;
	p2 =	slt.u32 s8, $0xFFFFF086  }
0x1c: {  	p1 =	slt.u32 s9, $0xF7A;
	s5 =	simm.s32 @!p2 $0x0  }
0x1d: {  	s5 =	simm.s32 @p1 $0x1;
	p0 =	seq.s32 s7, s2  }
0x1e: {  	s7 =	smul.u32 @!p0 $0xF7A, s2;
	p2 =	seq.s32 @!p0 s5, $0x0  }
0x1f: {  	s9 =	smul.u32 $0xF7A, s1;
	s8 =	simm.s32 @!p0 $0x1BF5;
	p2 =	por !p2, p0  }
0x20: {  	[sflag:s8] =	ssyncset.s32 @!p0 $0xFFFFF086;
	s6 =	sadd.s32 @!p0 s3, s7;
	s7 =	simm.s32 @!p0 $0x108  }
0x21: {  	s3 =	sadd.s32 s3, s9;
	s6 =	sadd.s32 @!p0 $0x88, s6;
	s7 =	simm.s32 @p2 $0x1082  }
0x22: {  	[simem:s7], [sflag:s8] =	dma.local @!p0 [hbm:s6], $0xF7A  }
0x23: {  	s9 =	sor.u32 $0xD0000000, s2;
	s6 =	simm.s32 $0x108;
	_ =	swait.ge @!p0 [sflag:s8], $0x0  }
0x24: {  	s3 =	sadd.s32 $0x88, s3;
	s6 =	simm.s32 @!p1 $0x1082;
	[sflag:s4] =	ssyncset.s32 $0xFFFFF086  }
0x25: {  	[simem:s6], [sflag:s4] =	dma.local [hbm:s3], $0xF7A  }
0x26: {  	[smem:$0x3F9E] =	sst s1;
	(tag) =	ssettag s2;
	_ =	strace s9  }
0x27: {  	s1 =	sld [smem:$0x3FAE]  }
0x28: {  	s2 =	sld [smem:$0x3FAF]  }
0x29: {  	s4 =	sld [smem:$0x3FB1]  }
0x2a: {  	p0 =	seq.s32 s5, $0x0;
	s5 =	sld [smem:$0x3FB2]  }
0x2b: {  	s6 =	sld [smem:$0x3FB3]  }
0x2c: {  	s7 =	sld [smem:$0x3FB4]  }
0x2d: {  	s3 =	simm.s32 $0x108;
	s8 =	sld [smem:$0x3FB5]  }
0x2e: {  	s3 =	simm.s32 @!p0 $0x1082;
	s9 =	sld [smem:$0x3FB6]  }
0x2f: {  	lr =	sadd.s32 s0, s3;
	s0 =	sld [smem:$0x3FAD]  }
0x30: {  	s3 =	sld [smem:$0x3FB0]  }
0x31: {  	[smem:$0x3FB9] =	sst s10  }
0x32: {  	s10 =	sld [smem:$0x3FB7];
	_ =	sdelay $0x3  }
0x33: {  	p0 =	seq.s32 s10, $0x1;
	s10 =	sld [smem:$0x3FB9];
	_ =	sdelay $0x3  }
0x34: {  	[smem:$0x3FB9] =	sst s10  }
0x35: {  	s10 =	sld [smem:$0x3FB8];
	_ =	sdelay $0x3  }
0x36: {  	p1 =	seq.s32 s10, $0x1;
	s10 =	sld [smem:$0x3FB9];
	_ =	sdelay $0x3  }
0x37: {  	[smem:$0x3FB9] =	sst s10  }
0x38: {  	s10 =	sld [smem:$0x3FBA]  }
0x39: {  	_ = 	snop;
	(pc) =	sbr.ind lr, $3  }
0x3a: {  	_ = 	snop  }
0x3b: {  	_ = 	snop  }
0x3c: {  	p2 =	seq.s32 s10, $0x1;
	s10 =	sld [smem:$0x3FB9]  }
0x3d: {  	_ =	shalt  }
0x3e: {  	_ =	shalt  }
0x3f: {  	_ =	shalt  }
0x40: {  	_ =	shalt  }
0x41: {  	_ =	shalt  }
0x42: {  	_ =	shalt  }
0x43: {  	_ =	shalt  }
0x44: {  	_ =	shalt  }
0x45: {  	_ =	shalt  }
0x46: {  	_ =	shalt  }
0x47: {  	_ =	shalt  }
0x48: {  	_ =	shalt  }
0x49: {  	_ =	shalt  }
0x4a: {  	_ =	shalt  }
0x4b: {  	_ =	shalt  }
0x4c: {  	_ =	shalt  }
0x4d: {  	_ =	shalt  }
0x4e: {  	_ =	shalt  }
0x4f: {  	_ =	shalt  }
0x50: {  	_ =	shalt  }
0x51: {  	_ =	shalt  }
0x52: {  	_ =	shalt  }
0x53: {  	_ =	shalt  }
0x54: {  	_ =	shalt  }
0x55: {  	_ =	shalt  }
0x56: {  	_ =	shalt  }
0x57: {  	_ =	shalt  }
0x58: {  	_ =	shalt  }
0x59: {  	_ =	shalt  }
0x5a: {  	_ =	shalt  }
0x5b: {  	_ =	shalt  }
0x5c: {  	_ =	shalt  }
0x5d: {  	_ =	shalt  }
0x5e: {  	_ =	shalt  }
0x5f: {  	_ =	shalt  }
0x60: {  	_ =	shalt  }
0x61: {  	_ =	shalt  }
0x62: {  	_ =	shalt  }
0x63: {  	_ =	shalt  }
0x64: {  	_ =	shalt  }
0x65: {  	_ =	shalt  }
0x66: {  	_ =	shalt  }
0x67: {  	_ =	shalt  }
0x68: {  	_ =	shalt  }
0x69: {  	_ =	shalt  }
0x6a: {  	_ =	shalt  }
0x6b: {  	_ =	shalt  }
0x6c: {  	_ =	shalt  }
0x6d: {  	_ =	shalt  }
0x6e: {  	_ =	shalt  }
0x6f: {  	_ =	shalt  }
0x70: {  	_ =	shalt  }
0x71: {  	_ =	shalt  }
0x72: {  	_ =	shalt  }
0x73: {  	_ =	shalt  }
0x74: {  	_ =	shalt  }
0x75: {  	_ =	shalt  }
0x76: {  	_ =	shalt  }
0x77: {  	_ =	shalt  }
0x78: {  	_ =	shalt  }
0x79: {  	_ =	shalt  }
0x7a: {  	_ =	shalt  }
0x7b: {  	_ =	shalt  }
0x7c: {  	_ =	shalt  }
0x7d: {  	_ =	shalt  }
0x7e: {  	_ =	shalt  }
0x7f: {  	_ =	shalt  }
0x80: {  	_ =	shalt  }
0x81: {  	_ =	shalt  }
0x82: {  	_ =	shalt  }
0x83: {  	_ =	shalt  }
0x84: {  	_ =	shalt  }
0x85: {  	_ =	shalt  }
0x86: {  	_ =	shalt  }
0x87: {  	_ =	shalt  }
.Lfunc_end0:
.L_simem_size_0:
called_computation_lowered:
.L_overlay_start_0:
0x88: {  	s0 =	sld [smem:$0x3FD9]  }
0x89: {  	s1 =	sld [smem:$0x3FFE];
	_ =	sdelay $0x3  }
0x8a: {  	s0 =	sadd.s32 s1, s0  }
0x8b: {  	[smem:$0x3FC5] =	sst s0  }
0x8c: {  	_ = 	snop  }
0x8d: {  	s0 =	sld [smem:$0x3FC9]  }
0x8e: {  	s16 =	sld [smem:$0x3FC8]  }
0x8f: {  	s2 =	sld [smem:$0x3FD0];
	(tm) =	ssettm $0x1  }
0x90: {  	s3 =	sld [smem:$0x3FFB];
	_ =	sdelay $0x3  }
0x91: {  	_ =	strace s3  }
0x92: {  	s3 =	sld [smem:$0x3FFC];
	_ =	sdelay $0x3  }
0x93: {  	_ =	strace s3  }
0x94: {  	s3 =	sld [smem:$0x3FFD];
	_ =	sdelay $0x3  }
0x95: {  	_ =	strace s3  }
0x96: {  	_ =	strace $0x8FFFFFFF  }
0x97: {  	s17 =	sld [smem:$0x3FDB];
	_ =	sdelay $0x1  }
0x98: {  	s4 =	simm.s32 $_scs_section_size  }
0x99: {  	s5 =	simm.s32 $_size__tile_overlayer_lowered;
	s6 =	simm.s32 $_tile_overlayer_lowered  }
0x9a: {  	s20 =	simm.s32 $0x1BFF;
	s19 =	sshll.u32 s6, $0x1;
	s3 =	sadd.s32 s4, s17  }
0x9b: {  	s7 =	simm.s32 $0x0;
	s18 =	sshll.u32 s5, $0x1;
	s5 =	sadd.s32 s19, s3  }
0x9c: {  	[timem:s7], [sflag:s20] =	dma.local [hbm:s5], s18  }
0x9d: {  	_ =	swait.ge [sflag:s20], s18  }
0x9e: {  	s4 =	ssub.s32 $0x0, s18;
	[sflag:s20] =	ssyncset.done $0x0  }
0x9f: {  	[sflag:s20] =	ssyncadd.s32 s4;
	_ =	sdelay $0x1  }
0xa0: {  	s21 =	simm.s32 $0x1B8B  }
0xa1: {  	_ =	swait.ge [sflag:s21], $0x1  }
0xa2: {  	[sflag:s21] =	ssyncset.done $0x0  }
0xa3: {  	s23 =	simm.s32 $0x1B8E;
	s22 =	sld [smem:$0x3FFE];
	[sflag:s21] =	ssyncadd.s32 $0xFFFFFFFF  }
0xa4: {  	s24 =	simm.s32 $execute0_lowered;
	[smem:$0x3FD2] =	sst s23  }
0xa5: {  	s5 =	sshll.u32 s24, $0x1;
	_ =	strace $0x80000046;
	[dreg:$0x1] =	wrdreg $0xFFFFFFFF  }
0xa6: {  	s25 =	simm.s32 $_size_execute0_lowered;
	s3 =	sadd.s32 s3, s5;
	[dreg:$0x0] =	wrdreg $0x0  }
0xa7: {  	s5 =	sshll.u32 s25, $0x1;
	[dreg:$0x2] =	wrdreg s3  }
0xa8: {  	[dreg:$0x3] =	wrdreg s5  }
0xa9: {  	[dreg:$0x4] =	wrdreg $0xC0  }
0xaa: {  	_ =	task [dreg:s7], $0x5FFFF  }
0xab: {  	[dreg:$0x1] =	wrdreg $0xFFFFFFFF  }
0xac: {  	[dreg:$0x0] =	wrdreg $0x60  }
0xad: {  	[dreg:$0x2] =	wrdreg s0  }
0xae: {  	[dreg:$0x3] =	wrdreg s16  }
0xaf: {  	[dreg:$0x4] =	wrdreg s22  }
0xb0: {  	[dreg:$0x5] =	wrdreg s2  }
0xb1: {  	[dreg:$0x6] =	wrdreg $0x9  }
0xb2: {  	_ =	task.clear_ibuf [dreg:s7], $0x7FFFF;
	_ =	strace $0x90000046  }
0xb3: {  	s26 =	simm.s32 $0x9;
	_ =	strace $0x80000048  }
0xb4: {  	_ =	swait.ge [sflag:s26], $0x1  }
0xb5: {  	[sflag:s26] =	ssyncadd.s32 $0xFFFFFFFF  }
0xb6: {  	_ =	strace $0x90000048  }
0xb7: {  	_ =	sfence  }
0xb8: {  	s28 =	sld [smem:$0x0];
	_ =	sdelay $0x1  }
0xb9: {  	s29 =	srdreg.scid  }
0xba: {  	s30 =	sshll.u32 s29, $0xD;
	s31 =	sshrl.u32 s29, $0x2  }
0xbb: {  	s1 =	sand.u32 $0x1, s29;
	s2 =	sand.u32 $0x4000, s30;
	s0 =	sadd.s32 s31, s28  }
0xbc: {  	s1 =	sor.u32 s2, s1;
	s0 =	sshll.u32 s0, $0x11  }
0xbd: {  	s0 =	sor.u32 s0, s1  }
0xbe: {  	s0 =	sadd.s32 $0x8F2B, s0  }
0xbf: {  	[sflag:s0] =	ssyncadd.remote.s32 $0x1  }
0xc0: {  	_ =	sfence.sel $0xFFFF  }
0xc1: {  	[dreg:$0x0] =	wrdreg $0xFFFFFFFF;
	(pc) =	sbr.abs _section_cstart, $3  }
0xc2: {  	[dreg:$0x1] =	wrdreg $0xFFFFFFFF  }
0xc3: {  	_ =	task.clear_ibuf [dreg:s7], $0x2FFFF;
	_ =	strace $0x9FFFFFFF  }
0xc4: {  	(tm) =	ssettm $0x7FFFFFFF  }
0xc5: {  	_ =	shalt  }
tec
execute0_lowered:
.L_overlay_start_1:
0x0: {  	(tag) =	ssettag $0x1  }
0x1: {  	s4 =	rddreg [dreg:$0x0]  }
0x2: {  	s6 =	rddreg [dreg:$0x1]  }
0x3: {  	s8 =	rddreg [dreg:$0x2]  }
0x4: {  	s2 =	rddreg [dreg:$0x3];
	s7 =	simm.s32 $0x0;
	s1 =	stileid.u32  }
0x5: {  	[smem:$0x7FF] =	sst s7;
	s3 =	sshll.u32 s1, $0x7  }
0x6: {  	s0 =	rddreg [dreg:$0x4];
	_ =	strace $0x80000047;
	s4 =	sadd.s32 s4, s3  }
0x7: {  	[tilespmem:s7], [sflag:$0x1] =	stream.linear.gather [hbm4b:s4+s7], $0x400, $0x38;
	[tilespmem:$0xCD0] =	vst v63  }
0x8: {  	s5 =	simm.s32 $0x400  }
0x9: {  	[tilespmem:s5], [sflag:$0x1] =	stream.linear.gather [hbm4b:s6+s7], $0x48, $0x38;
	[tilespmem:$0xCD0] =	vst v63  }
0xa: {  	s20 =	simm.s32 $0x1;
	s19 =	sadd.s32 $0x200, s8;
	s4 =	simm.s32 $0x448  }
0xb: {  	[tilespmem:s4], [sflag:$0x1] =	stream.linear.gather [hbm4b:s19+s7], $0x88, $0x38;
	[tilespmem:$0xCD0] =	vst v63  }
0xc: {  	_ =	swait.ge [sflag:s20], $0x400  }
0xd: {  	[sflag:s20] =	ssyncset.done $0x0  }
0xe: {  	[sflag:s20] =	ssyncadd.s32 $0xFFFFFC00  }
0xf: {  	_ =	swait.ge [sflag:s20], $0x48  }
0x10: {  	[sflag:s20] =	ssyncset.done $0x0  }
0x11: {  	[sflag:s20] =	ssyncadd.s32 $0xFFFFFFB8  }
0x12: {  	_ =	swait.ge [sflag:s20], $0x88  }
0x13: {  	[sflag:s20] =	ssyncset.done $0x0  }
0x14: {  	s21 =	simm.s32 $0x40;
	[sflag:s20] =	ssyncadd.s32 $0xFFFFFF78  }
0x15: {  	v0 =	vld [tilespmem:s21+$0x30]  }
0x16: {  	v1 =	vld [tilespmem:s21+$0xFFFFFFD0]  }
0x17: {  	v2 =	vld [tilespmem:s21+$0xFFFFFFE0]  }
0x18: {  	v3 =	vld [tilespmem:s21+$0xFFFFFFF0]  }
0x19: {  	v4 =	vld [tilespmem:s21+$0x0]  }
0x1a: {  	v5 =	vld [tilespmem:s21+$0x10]  }
0x1b: {  	v6 =	vld [tilespmem:s21+$0x20]  }
0x1c: {  	v7 =	vld [tilespmem:s21+$0xFFFFFFC0]  }
0x1d: {  	v0 =	vld.idx.msk [tilespmem:v0+s5+$0x0], $0xffff  }
0x1e: {  	v1 =	vld.idx.msk [tilespmem:v1+s5+$0x0], $0xffff  }
0x1f: {  	v2 =	vld.idx.msk [tilespmem:v2+s5+$0x0], $0xffff  }
0x20: {  	v3 =	vld.idx.msk [tilespmem:v3+s5+$0x0], $0xffff  }
0x21: {  	v4 =	vld.idx.msk [tilespmem:v4+s5+$0x0], $0xffff  }
0x22: {  	v5 =	vld.idx.msk [tilespmem:v5+s5+$0x0], $0xffff;
	v8 =	vshll.u32 v0, $0x1  }
0x23: {  	v6 =	vld.idx.msk [tilespmem:v6+s5+$0x0], $0xffff;
	v9 =	vshll.u32 v1, $0x1  }
0x24: {  	v7 =	vld.idx.msk [tilespmem:v7+s5+$0x0], $0xffff;
	v10 =	vshll.u32 v2, $0x1  }
0x25: {  	v11 =	vshll.u32 v3, $0x1  }
0x26: {  	v12 =	vshll.u32 v4, $0x1  }
0x27: {  	v13 =	vshll.u32 v5, $0x1;
	v5 =	vld.idx.msk [tilespmem:v8+s4+$0x0], $0xffff  }
0x28: {  	s22 =	simm.s32 $0x70;
	v0 =	vlaneseq.u32;
	v15 =	vshll.u32 v6, $0x1;
	v14 =	vld.idx.msk [tilespmem:v9+s4+$0x0], $0xffff  }
0x29: {  	s11 =	simm.s32 $0x30;
	v19 =	vshll.u32 v7, $0x1;
	v2 =	vor.u32 $0xFFFFFFF8, v0;
	v4 =	vor.u32 s22, v0;
	v17 =	vld.idx.msk [tilespmem:v10+s4+$0x0], $0xffff  }
0x2a: {  	s9 =	simm.s32 $0x10;
	v20 =	vor.u32 s11, v0;
	v6 =	vand.u32 v2, v4;
	v4 =	vor.u32 $0xFFFFFFB8, v0;
	v7 =	vld.idx.msk [tilespmem:v11+s4+$0x0], $0xffff  }
0x2b: {  	v1 =	vor.u32 $0xFFFFFF98, v0;
	v16 =	vor.u32 s9, v0;
	v20 =	vand.u32 v4, v20;
	v21 =	vld.idx.msk [tilespmem:v12+s4+$0x0], $0xffff  }
0x2c: {  	s10 =	simm.s32 $0x20;
	v16 =	vand.u32 v1, v16;
	v22 =	vld.idx.msk [tilespmem:v13+s4+$0x0], $0xffff  }
0x2d: {  	v3 =	vor.u32 $0xFFFFFFA8, v0;
	v18 =	vor.u32 s10, v0;
	v8 =	vor.u32 $0x1, v8;
	v23 =	vld.idx.msk [tilespmem:v15+s4+$0x0], $0xffff  }
0x2e: {  	s12 =	simm.s32 $0xC0;
	s6 =	simm.s32 $0x4D0;
	v18 =	vand.u32 v3, v18;
	v9 =	vor.u32 $0x1, v9;
	v25 =	vld.idx.msk [tilespmem:v19+s4+$0x0], $0xffff  }
0x2f: {  	v10 =	vor.u32 $0x1, v10;
	[tilespmem:v6+s6+$0x0] =	vst.idx.msk $0xffff, v5;
	v5 =	vld [tilespmem:s12+$0x30]  }
0x30: {  	v11 =	vor.u32 $0x1, v11;
	[tilespmem:v20+s6+$0x0] =	vst.idx.msk $0xffff, v7;
	v7 =	vld [tilespmem:s12+$0xFFFFFFD0]  }
0x31: {  	[tilespmem:v16+s6+$0x0] =	vst.idx.msk $0xffff, v14;
	v14 =	vld [tilespmem:s12+$0x20]  }
0x32: {  	v24 =	vld.idx.msk [tilespmem:v8+s4+$0x0], $0xffff  }
0x33: {  	s23 =	simm.s32 $0x40;
	[tilespmem:v18+s6+$0x0] =	vst.idx.msk $0xffff, v17;
	v16 =	vld.idx.msk [tilespmem:v9+s4+$0x0], $0xffff  }
0x34: {  	v29 =	vor.u32 s23, v0;
	v6 =	vor.u32 $0xFFFFFFC8, v0;
	v17 =	vld.idx.msk [tilespmem:v10+s4+$0x0], $0xffff  }
0x35: {  	v18 =	vld.idx.msk [tilespmem:v11+s4+$0x0], $0xffff;
	v29 =	vand.u32 v6, v29  }
0x36: {  	v12 =	vor.u32 $0x1, v12;
	v8 =	vld [tilespmem:s12+$0xFFFFFFE0]  }
0x37: {  	v9 =	vld [tilespmem:s12+$0xFFFFFFF0]  }
0x38: {  	v10 =	vld [tilespmem:s12+$0x0]  }
0x39: {  	v11 =	vld [tilespmem:s12+$0x10]  }
0x3a: {  	v20 =	vld [tilespmem:s12+$0xFFFFFFC0];
	[tilespmem:v29+s6+$0x0] =	vst.idx.msk $0xffff, v21  }
0x3b: {  	v34 =	vor.u32 $0x1, v13;
	v13 =	vld.idx.msk [tilespmem:v12+s4+$0x0], $0xffff  }
0x3c: {  	v27 =	vor.u32 s7, v0;
	v26 =	vld.idx.msk [tilespmem:v5+s5+$0x0], $0xffff;
	v5 =	vor.u32 $0xFFFFFF88, v0  }
0x3d: {  	s13 =	simm.s32 $0x50;
	v28 =	vld.idx.msk [tilespmem:v7+s5+$0x0], $0xffff;
	v27 =	vand.u32 v5, v27  }
0x3e: {  	v7 =	vor.u32 $0xFFFFFFD8, v0;
	v30 =	vld.idx.msk [tilespmem:v8+s5+$0x0], $0xffff;
	v8 =	vor.u32 s13, v0  }
0x3f: {  	v19 =	vor.u32 $0x1, v19;
	v31 =	vld.idx.msk [tilespmem:v9+s5+$0x0], $0xffff;
	v32 =	vand.u32 v7, v8  }
0x40: {  	v33 =	vld.idx.msk [tilespmem:v10+s5+$0x0], $0xffff  }
0x41: {  	s14 =	simm.s32 $0x60;
	v35 =	vld.idx.msk [tilespmem:v11+s5+$0x0], $0xffff;
	v9 =	vor.u32 $0xFFFFFFE8, v0;
	v8 =	vor.u32 $0x400, v0;
	v26 =	vshll.u32 v26, $0x1  }
0x42: {  	v36 =	vld.idx.msk [tilespmem:v14+s5+$0x0], $0xffff;
	v10 =	vor.u32 s14, v0;
	v37 =	vor.u32 s22, v8;
	[tilespmem:v27+s6+$0x0] =	vst.idx.msk $0xffff, v25;
	v25 =	vshll.u32 v28, $0x1  }
0x43: {  	s24 =	simm.s32 $0xF0;
	v15 =	vor.u32 $0x1, v15;
	v20 =	vld.idx.msk [tilespmem:v20+s5+$0x0], $0xffff;
	v27 =	vand.u32 v9, v10;
	v21 =	vshll.u32 v30, $0x1  }
0x44: {  	v12 =	vor.u32 s24, v0;
	v28 =	vor.u32 s9, v8;
	v19 =	vld.idx.msk [tilespmem:v19+s4+$0x0], $0xffff;
	[tilespmem:v32+s6+$0x0] =	vst.idx.msk $0xffff, v22;
	v22 =	vshll.u32 v31, $0x1  }
0x45: {  	v29 =	vor.u32 s10, v8;
	v11 =	vor.u32 s13, v8;
	v31 =	vshll.u32 v33, $0x1;
	v14 =	vld.idx.msk [tilespmem:v34+s4+$0x0], $0xffff  }
0x46: {  	v60 =	vor.u32 s7, v8;
	v30 =	vor.u32 s11, v8;
	v35 =	vshll.u32 v35, $0x1;
	v59 =	vld.idx.msk [tilespmem:v26+s4+$0x0], $0xffff  }
0x47: {  	v62 =	vshll.u32 v36, $0x1;
	v36 =	vor.u32 s24, v8;
	[tilespmem:v37+s6+$0x0] =	vst.idx.msk $0xffff, v24;
	v24 =	vand.u32 v2, v12;
	v61 =	vld.idx.msk [tilespmem:v25+s4+$0x0], $0xffff  }
0x48: {  	s25 =	simm.s32 $0x90;
	v10 =	vor.u32 s23, v8;
	v12 =	vor.u32 s14, v8;
	[tilespmem:v27+s6+$0x0] =	vst.idx.msk $0xffff, v23;
	v27 =	vld.idx.msk [tilespmem:v21+s4+$0x0], $0xffff;
	v23 =	vor.u32 $0x1, v26  }
0x49: {  	s26 =	simm.s32 $0xA0;
	s7 =	simm.s32 $0x80;
	[tilespmem:v28+s6+$0x0] =	vst.idx.msk $0xffff, v16;
	v16 =	vor.u32 $0x1, v21;
	v21 =	vor.u32 s25, v0;
	v26 =	vshll.u32 v20, $0x1;
	v38 =	vld.idx.msk [tilespmem:v22+s4+$0x0], $0xffff  }
0x4a: {  	s28 =	simm.s32 $0xB0;
	[tilespmem:v29+s6+$0x0] =	vst.idx.msk $0xffff, v17;
	v17 =	vor.u32 s7, v0;
	v20 =	vor.u32 s26, v0;
	v63 =	vand.u32 v1, v21;
	v39 =	vld.idx.msk [tilespmem:v31+s4+$0x0], $0xffff  }
0x4b: {  	s29 =	simm.s32 $0xC0;
	v25 =	vor.u32 $0x1, v25;
	[tilespmem:v30+s6+$0x0] =	vst.idx.msk $0xffff, v18;
	v18 =	vor.u32 s28, v0;
	v41 =	vand.u32 v3, v20;
	v20 =	vld.idx.msk [tilespmem:v35+s4+$0x0], $0xffff  }
0x4c: {  	s30 =	simm.s32 $0xD0;
	v40 =	vor.u32 $0x1, v22;
	v22 =	vor.u32 s29, v0;
	v42 =	vand.u32 v4, v18;
	v21 =	vld.idx.msk [tilespmem:v62+s4+$0x0], $0xffff;
	[tilespmem:v24+s6+$0x0] =	vst.idx.msk $0xffff, v59  }
0x4d: {  	s31 =	simm.s32 $0xE0;
	v29 =	vor.u32 s26, v8;
	v28 =	vor.u32 s30, v0;
	v43 =	vand.u32 v6, v22;
	v32 =	vld.idx.msk [tilespmem:v23+s4+$0x0], $0xffff  }
0x4e: {  	v30 =	vor.u32 s28, v8;
	v18 =	vor.u32 s31, v0;
	[tilespmem:v60+s6+$0x0] =	vst.idx.msk $0xffff, v19;
	v19 =	vor.u32 $0x1, v31;
	v33 =	vld.idx.msk [tilespmem:v26+s4+$0x0], $0xffff  }
0x4f: {  	v24 =	vand.u32 v7, v28;
	v28 =	vand.u32 v5, v17;
	v23 =	vld.idx.msk [tilespmem:v15+s4+$0x0], $0xffff;
	[tilespmem:v63+s6+$0x0] =	vst.idx.msk $0xffff, v61  }
0x50: {  	v31 =	vor.u32 s31, v8;
	v22 =	vand.u32 v9, v18;
	v18 =	vor.u32 $0x1, v26;
	[tilespmem:v41+s6+$0x0] =	vst.idx.msk $0xffff, v27;
	v34 =	vld.idx.msk [tilespmem:v25+s4+$0x0], $0xffff  }
0x51: {  	v17 =	vor.u32 $0x1, v35;
	v26 =	vor.u32 s25, v8;
	v27 =	vor.u32 s29, v8;
	[tilespmem:v42+s6+$0x0] =	vst.idx.msk $0xffff, v38;
	v35 =	vld.idx.msk [tilespmem:v16+s4+$0x0], $0xffff  }
0x52: {  	s8 =	simm.s32 $0x8;
	s9 =	simm.s32 $0x140;
	v15 =	vor.u32 $0x1, v62;
	v25 =	vor.u32 s30, v8;
	v16 =	vor.u32 s7, v8;
	v37 =	vld.idx.msk [tilespmem:v40+s4+$0x0], $0xffff;
	[tilespmem:v43+s6+$0x0] =	vst.idx.msk $0xffff, v39  }
.LBB2_1:
0x53: {  	v38 =	vld [tilespmem:s9+$0x30];
	s8 =	sadd.s32 $0x8, s8;
	[tilespmem:v36+s6+$0x0] =	vst.idx.msk $0xffff, v32  }
0x54: {  	v32 =	vld [tilespmem:s9+$0xFFFFFFD0];
	p0 =	slt.u32 s8, $0x38;
	[tilespmem:v28+s6+$0x0] =	vst.idx.msk $0xffff, v33  }
0x55: {  	v28 =	vld [tilespmem:s9+$0xFFFFFFE0];
	[tilespmem:v24+s6+$0x0] =	vst.idx.msk $0xffff, v20  }
0x56: {  	v20 =	vld [tilespmem:s9+$0xFFFFFFF0];
	[tilespmem:v22+s6+$0x0] =	vst.idx.msk $0xffff, v21  }
0x57: {  	v21 =	vld [tilespmem:s9+$0x0];
	[tilespmem:v26+s6+$0x0] =	vst.idx.msk $0xffff, v34  }
0x58: {  	v22 =	vld [tilespmem:s9+$0x10];
	[tilespmem:v29+s6+$0x0] =	vst.idx.msk $0xffff, v35  }
0x59: {  	v24 =	vld [tilespmem:s9+$0x20];
	[tilespmem:v30+s6+$0x0] =	vst.idx.msk $0xffff, v37  }
0x5a: {  	v26 =	vld [tilespmem:s9+$0xFFFFFFC0];
	[tilespmem:v10+s6+$0x0] =	vst.idx.msk $0xffff, v13;
	v10 =	vmov v27  }
0x5b: {  	v13 =	vld.idx.msk [tilespmem:v38+s5+$0x0], $0xffff;
	[tilespmem:v11+s6+$0x0] =	vst.idx.msk $0xffff, v14;
	v11 =	vmov v25  }
0x5c: {  	v14 =	vld.idx.msk [tilespmem:v32+s5+$0x0], $0xffff;
	[tilespmem:v12+s6+$0x0] =	vst.idx.msk $0xffff, v23;
	v12 =	vmov v31  }
0x5d: {  	v23 =	vld.idx.msk [tilespmem:v28+s5+$0x0], $0xffff  }
0x5e: {  	v20 =	vld.idx.msk [tilespmem:v20+s5+$0x0], $0xffff  }
0x5f: {  	v21 =	vld.idx.msk [tilespmem:v21+s5+$0x0], $0xffff  }
0x60: {  	v22 =	vld.idx.msk [tilespmem:v22+s5+$0x0], $0xffff  }
0x61: {  	v25 =	vshll.u32 v13, $0x1;
	v24 =	vld.idx.msk [tilespmem:v24+s5+$0x0], $0xffff  }
0x62: {  	v27 =	vshll.u32 v14, $0x1;
	v26 =	vld.idx.msk [tilespmem:v26+s5+$0x0], $0xffff  }
0x63: {  	v31 =	vor.u32 $0x1, v27;
	v23 =	vshll.u32 v23, $0x1;
	v29 =	vld.idx.msk [tilespmem:v18+s4+$0x0], $0xffff  }
0x64: {  	s7 =	sadd.s32 $0x80, s7;
	v35 =	vor.u32 $0x1, v23;
	v18 =	vshll.u32 v20, $0x1;
	v13 =	vld.idx.msk [tilespmem:v19+s4+$0x0], $0xffff  }
0x65: {  	s10 =	sadd.s32 $0x10, s7;
	s11 =	sadd.s32 $0x20, s7;
	s12 =	sadd.s32 $0x70, s7;
	v19 =	vor.u32 s7, v0;
	v37 =	vor.u32 $0x1, v18;
	v21 =	vshll.u32 v21, $0x1;
	v14 =	vld.idx.msk [tilespmem:v17+s4+$0x0], $0xffff  }
0x66: {  	s13 =	sadd.s32 $0x30, s7;
	s14 =	sadd.s32 $0x40, s7;
	s15 =	sadd.s32 $0x50, s7;
	v20 =	vor.u32 s12, v0;
	v17 =	vor.u32 s10, v0;
	v30 =	vshll.u32 v22, $0x1;
	v32 =	vld.idx.msk [tilespmem:v25+s4+$0x0], $0xffff  }
0x67: {  	s16 =	sadd.s32 $0x60, s7;
	v34 =	vand.u32 v2, v20;
	v22 =	vor.u32 s11, v0;
	v33 =	vshll.u32 v24, $0x1;
	v27 =	vld.idx.msk [tilespmem:v27+s4+$0x0], $0xffff  }
0x68: {  	v20 =	vor.u32 s13, v0;
	v36 =	vshll.u32 v26, $0x1;
	v38 =	vld.idx.msk [tilespmem:v23+s4+$0x0], $0xffff;
	v23 =	vor.u32 $0x1, v25  }
0x69: {  	v24 =	vor.u32 s15, v0;
	v25 =	vor.u32 s16, v0;
	v39 =	vld.idx.msk [tilespmem:v18+s4+$0x0], $0xffff;
	v18 =	vor.u32 s14, v0  }
0x6a: {  	v42 =	vand.u32 v4, v20;
	v40 =	vand.u32 v1, v17;
	v41 =	vand.u32 v3, v22;
	v43 =	vld.idx.msk [tilespmem:v21+s4+$0x0], $0xffff  }
0x6b: {  	v24 =	vand.u32 v7, v24;
	v22 =	vand.u32 v9, v25;
	v44 =	vand.u32 v6, v18;
	v20 =	vld.idx.msk [tilespmem:v30+s4+$0x0], $0xffff  }
0x6c: {  	v28 =	vand.u32 v5, v19;
	v19 =	vor.u32 $0x1, v21;
	v18 =	vor.u32 $0x1, v36;
	v21 =	vld.idx.msk [tilespmem:v33+s4+$0x0], $0xffff;
	[tilespmem:v34+s6+$0x0] =	vst.idx.msk $0xffff, v32  }
0x6d: {  	v17 =	vor.u32 $0x1, v30;
	v26 =	vor.u32 s10, v8;
	v34 =	vor.u32 $0x1, v33;
	v32 =	vld.idx.msk [tilespmem:v23+s4+$0x0], $0xffff;
	[tilespmem:v16+s6+$0x0] =	vst.idx.msk $0xffff, v29  }
.Ltmp0:
0x6e: {  	v30 =	vor.u32 s13, v8;
	v29 =	vor.u32 s11, v8;
	v33 =	vld.idx.msk [tilespmem:v36+s4+$0x0], $0xffff;
	v36 =	vor.u32 s12, v8;
	(pc) =	sbr.rel @p0 .LBB2_1-.Ltmp0, $4  }
0x6f: {  	v25 =	vor.u32 s15, v8;
	[tilespmem:v40+s6+$0x0] =	vst.idx.msk $0xffff, v27;
	v27 =	vor.u32 s14, v8;
	v23 =	vld.idx.msk [tilespmem:v15+s4+$0x0], $0xffff;
	v15 =	vmov v34  }
0x70: {  	v16 =	vor.u32 s7, v8;
	v34 =	vld.idx.msk [tilespmem:v31+s4+$0x0], $0xffff;
	[tilespmem:v41+s6+$0x0] =	vst.idx.msk $0xffff, v38;
	v31 =	vor.u32 s16, v8  }
0x71: {  	v35 =	vld.idx.msk [tilespmem:v35+s4+$0x0], $0xffff;
	[tilespmem:v42+s6+$0x0] =	vst.idx.msk $0xffff, v39  }
0x72: {  	s9 =	sadd.s32 $0x80, s9;
	v37 =	vld.idx.msk [tilespmem:v37+s4+$0x0], $0xffff;
	[tilespmem:v44+s6+$0x0] =	vst.idx.msk $0xffff, v43  }
0x73: {  	_ =	sdelay $0x3  }
0x74: {  	[tilespmem:v36+s6+$0x0] =	vst.idx.msk $0xffff, v32  }
0x75: {  	[tilespmem:v28+s6+$0x0] =	vst.idx.msk $0xffff, v33  }
0x76: {  	[tilespmem:v24+s6+$0x0] =	vst.idx.msk $0xffff, v20  }
0x77: {  	[tilespmem:v22+s6+$0x0] =	vst.idx.msk $0xffff, v21  }
0x78: {  	[tilespmem:v10+s6+$0x0] =	vst.idx.msk $0xffff, v13  }
0x79: {  	v1 =	vld.idx.msk [tilespmem:v19+s4+$0x0], $0xffff;
	[tilespmem:v11+s6+$0x0] =	vst.idx.msk $0xffff, v14  }
0x7a: {  	v0 =	vld.idx.msk [tilespmem:v18+s4+$0x0], $0xffff;
	[tilespmem:v12+s6+$0x0] =	vst.idx.msk $0xffff, v23  }
0x7b: {  	v2 =	vld.idx.msk [tilespmem:v17+s4+$0x0], $0xffff;
	[tilespmem:v26+s6+$0x0] =	vst.idx.msk $0xffff, v34  }
0x7c: {  	v3 =	vld.idx.msk [tilespmem:v15+s4+$0x0], $0xffff;
	[tilespmem:v29+s6+$0x0] =	vst.idx.msk $0xffff, v35  }
0x7d: {  	[tilespmem:v30+s6+$0x0] =	vst.idx.msk $0xffff, v37  }
0x7e: {  	[tilespmem:v27+s6+$0x0] =	vst.idx.msk $0xffff, v1  }
0x7f: {  	[tilespmem:v16+s6+$0x0] =	vst.idx.msk $0xffff, v0  }
0x80: {  	[tilespmem:v25+s6+$0x0] =	vst.idx.msk $0xffff, v2  }
0x81: {  	s2 =	sadd.s32 s2, s3;
	s28 =	simm.s32 $0x0;
	s29 =	simm.s32 $0x4D0;
	[tilespmem:v31+s6+$0x0] =	vst.idx.msk $0xffff, v3  }
0x82: {  	[hbm4b:s2+s28] =	stream.linear.scatter [tilespmem:s29], [sflag:$0x1], $0x400, $0x38;
	[tilespmem:$0xCD0] =	vst v63  }
0x83: {  	s30 =	simm.s32 $0x8D0;
	s31 =	simm.s32 $0x1;
	s2 =	sadd.s32 $0x800, s2  }
0x84: {  	[hbm4b:s2+s28] =	stream.linear.scatter [tilespmem:s30], [sflag:$0x1], $0x400, $0x38;
	[tilespmem:$0xCD0] =	vst v63  }
0x85: {  	_ =	swait.ge [sflag:s31], $0x400  }
0x86: {  	[sflag:s31] =	ssyncset.done $0x0  }
0x87: {  	[sflag:s31] =	ssyncadd.s32 $0xFFFFFC00  }
0x88: {  	_ =	swait.ge [sflag:s31], $0x400  }
0x89: {  	[sflag:s31] =	ssyncset.done $0x0  }
0x8a: {  	[sflag:s31] =	ssyncadd.s32 $0xFFFFFC00  }
0x8b: {  	_ =	sfence.sel $0x180000  }
0x8c: {  	[bflag:$0x0] =	sbarrier.arrive $0xFFFF  }
0x8d: {  	p0 =	sne.s32 s1, $0x0;
	_ =	strace $0x90000047  }
0x8e: {  	s0 =	sadd.s32 @!p0 $0x100000, s0;
	[bflag:$0x2] =	sbarrier.arrive $0xFFFF  }
0x8f: {  	[sflag:s0] =	ssyncadd.tile.s32 @!p0 $0x1;
	_ =	shalt  }
.Lfunc_end2:
_tile_overlayer_lowered:
.L_overlay_start_2:
0x90: {  	(tag) =	ssettag $0x2  }
0x91: {  	s0 =	rddreg [dreg:$0x0];
	s2 =	stileid.u32  }
0x92: {  	s1 =	rddreg [dreg:$0x1];
	p0 =	sne.s32 s2, $0x0  }
0x93: {  	s3 =	rddreg [dreg:$0x2];
	[bflag:$0x3] =	sbarrier.arrive $0xFFFF;
	s2 =	simm.s32 @!p0 $0x1C02  }
0x94: {  	[timem:s3], [sflag:s2] =	dma.local @!p0 [hbm:s0], s1  }
0x95: {  	s0 =	simm.s32 @!p0 $0x2  }
0x96: {  	_ =	swait.ge @!p0 [sflag:s0], s1  }
0x97: {  	s1 =	ssub.s32 @!p0 $0x0, s1;
	[sflag:s0] =	ssyncset.done @!p0 $0x0  }
0x98: {  	[sflag:s0] =	ssyncadd.s32 @!p0 s1  }
0x99: {  	[bflag:$0x3] =	sbarrier.arrive $0xFFFF  }
0x9a: {  	_ =	shalt  }

</sc_bundles>
